<compile_context>
chip_gen: v7x
topology: tpu7x:2x2x1
jax: 0.10.2.dev20260603
libtpu: 0.0.44.dev20260713+nightly
codegen_flags: <defaults>
</compile_context>

<pallas_src>
import functools
import jax
import jax.numpy as jnp
from jax import lax
from jax.experimental import pallas as pl
from jax.experimental.pallas import tpu as pltpu
from jax.experimental.pallas import tpu_sc as plsc

_BT = 512
_E = 64
_K = 8
_NC = 2
_NS = 16
_NW = _NC * _NS


def _probs_block(x_ref, wt_ref, p_ref):
    x = x_ref[...]
    wt = wt_ref[...]
    scores = jax.lax.dot_general(
        x, wt, (((1,), (0,)), ((), ())),
        preferred_element_type=jnp.float32)
    m = jnp.max(scores, axis=1, keepdims=True)
    e = jnp.exp(scores - m)
    p_ref[...] = e / jnp.sum(e, axis=1, keepdims=True)


def _probs(x, wt):
    t, dim = x.shape
    return pl.pallas_call(
        _probs_block,
        grid=(t // _BT,),
        in_specs=[
            pl.BlockSpec((_BT, dim), lambda i: (i, 0)),
            pl.BlockSpec((dim, _E), lambda i: (0, 0)),
        ],
        out_specs=pl.BlockSpec((_BT, _E), lambda i: (i, 0)),
        out_shape=jax.ShapeDtypeStruct((t, _E), jnp.float32),
    )(x, wt)


def _topk_sc(t):
    tpw = t // _NW
    mesh = plsc.VectorSubcoreMesh(core_axis_name="c", subcore_axis_name="s")

    @functools.partial(
        pl.kernel, mesh=mesh,
        compiler_params=pltpu.CompilerParams(needs_layout_passes=False),
        out_type=[
            jax.ShapeDtypeStruct((t * _K,), jnp.float32),
            jax.ShapeDtypeStruct((t * _K,), jnp.int32),
        ],
        scratch_types=[
            pltpu.VMEM((tpw * _E,), jnp.float32),
            pltpu.VMEM((tpw * _K + _K,), jnp.float32),
            pltpu.VMEM((tpw * _K + _K,), jnp.int32),
        ],
    )
    def k(p_hbm, wout_hbm, iout_hbm, p_v, w_v, i_v):
        wid = lax.axis_index("s") * _NC + lax.axis_index("c")
        base = wid * tpw
        pltpu.sync_copy(p_hbm.at[pl.ds(base * _E, tpw * _E)], p_v)

        lane = lax.iota(jnp.int32, 16)
        low = lane < 8
        lrevs = [jnp.int32(_E - 1) - (16 * j + lane) for j in range(4)]

        def _srt(v):
            return plsc.sort_key_val(v, v, descending=True)[0]

        def body(tok, _):
            ms = []
            for j in range(4):
                ej = p_v[pl.ds(tok * _E + 16 * j, 16)]
                ki = lax.bitcast_convert_type(ej, jnp.int32)
                ki = jnp.bitwise_or(
                    jnp.bitwise_and(ki, ~jnp.int32(_E - 1)), lrevs[j])
                ms.append(_srt(lax.bitcast_convert_type(ki, jnp.float32)))
            m01 = _srt(jnp.where(low, ms[0], lax.rev(ms[1], (0,))))
            m23 = _srt(jnp.where(low, ms[2], lax.rev(ms[3], (0,))))
            top = _srt(jnp.where(low, m01, lax.rev(m23, (0,))))
            ti = lax.bitcast_convert_type(top, jnp.int32)
            idx = jnp.int32(_E - 1) - jnp.bitwise_and(ti, _E - 1)
            mask = lane < 8
            plsc.store_compressed(w_v.at[pl.ds(tok * _K, 16)], top, mask=mask)
            plsc.store_compressed(i_v.at[pl.ds(tok * _K, 16)], idx, mask=mask)
            return ()

        lax.fori_loop(0, tpw, body, ())
        pltpu.sync_copy(w_v.at[pl.ds(0, tpw * _K)],
                        wout_hbm.at[pl.ds(base * _K, tpw * _K)])
        pltpu.sync_copy(i_v.at[pl.ds(0, tpw * _K)],
                        iout_hbm.at[pl.ds(base * _K, tpw * _K)])

    return k


def kernel(x, weight):
    t, dim = x.shape
    wt = weight.T
    p = _probs(x, wt)
    wout_flat, iout_flat = _topk_sc(t)(p.reshape(t * _E))
    return wout_flat.reshape(t, _K), iout_flat.reshape(t, _K)

# --- scband reference (transcript-rebuilt; emitter-appended) ---
"""Pipeline reference for scband-gate-26422638805112 (READ-ONLY COPY).

The authoritative reference and input builder live on the scoring server;
editing this copy changes nothing except your own understanding.
"""

import jax, jax.numpy as jnp
import numpy as np

T = 32768
DIM = 4096
N_EXPERTS = 64
TOPK = 8
ROUTE_SCALE = 1.0

def setup_inputs(seed: int = 0) -> dict:
    key = jax.random.key(seed)
    k1, k2 = jax.random.split(key)
    x = jax.random.normal(k1, (T, DIM), dtype=jnp.float32)
    # Gate weight: nn.Parameter(torch.empty(n_routed_experts, dim))
    weight = jax.random.normal(k2, (N_EXPERTS, DIM), dtype=jnp.float32) * 0.02
    return {"x": x, "weight": weight}

def reference(x, weight):
    # linear(x, weight): weight.element_size() > 1 -> F.linear(x, weight)
    scores = x @ weight.T  # [T, E]
    # score_func == 'softmax', computed in float32
    scores = jax.nn.softmax(scores.astype(jnp.float32), axis=-1)
    original_scores = scores
    # bias is None (dim != 7168); n_groups == 1 -> no group masking
    _, indices = jax.lax.top_k(scores, TOPK)  # [T, topk]
    weights = jnp.take_along_axis(original_scores, indices, axis=-1)  # [T, topk]
    weights = weights * ROUTE_SCALE
    return weights, indices

if __name__ == "__main__":
    import jax
    _d = setup_inputs()
    print(jax.jit(kernel)(*tuple(_d.values())))

</pallas_src>

<mosaic_0001>
#map = affine_map<(d0, d1) -> (0)>
module attributes {stable_mosaic.version = 14 : i64} {
  func.func @k(%arg0: i32, %arg1: i32, %arg2: memref<2097152xf32, #tpu.memory_space<hbm>>, %arg3: memref<262144xf32, #tpu.memory_space<hbm>>, %arg4: memref<262144xi32, #tpu.memory_space<hbm>>, %arg5: memref<65536xf32, #tpu.memory_space<vmem>>, %arg6: memref<8200xf32, #tpu.memory_space<vmem>>, %arg7: memref<8200xi32, #tpu.memory_space<vmem>>) attributes {dimension_semantics = [#tpu.dimension_semantics<core_parallel>, #tpu.dimension_semantics<subcore_parallel>], iteration_bounds = array<i64: 2, 16>, scalar_prefetch = 0 : i64, scratch_operands = 3 : i64, tpu.core_type = #tpu.core_type<sc_vector_subcore>, window_params = [{transform_indices = #map}, {transform_indices = #map}, {transform_indices = #map}]} {
    %mul3A = arith.constant 2 : i32
    %mul3A_0 = arith.muli %arg1, %mul3A : i32
    %add3A = arith.addi %mul3A_0, %arg0 : i32
    %mul3A_1 = arith.constant 1024 : i32
    %mul3A_2 = arith.muli %add3A, %mul3A_1 : i32
    %mul3A_3 = arith.constant 64 : i32
    %mul3A_4 = arith.muli %mul3A_2, %mul3A_3 : i32
    "tpu.region"() ({
      %run_scoped3A = tpu.sem_alloc : memref<!tpu.dma_semaphore, #tpu.memory_space<semaphore_mem>>
      %dma_start3A = tpu.memref_slice %arg2[%mul3A_4] : memref<2097152xf32, #tpu.memory_space<hbm>> -> memref<65536xf32, #tpu.memory_space<hbm>>
      %dma_start3A_38 = tpu.memref_slice %arg2[%mul3A_4] : memref<2097152xf32, #tpu.memory_space<hbm>> -> memref<65536xf32, #tpu.memory_space<hbm>>
      tpu.enqueue_dma source(%dma_start3A_38 : memref<65536xf32, #tpu.memory_space<hbm>>) target(%arg5 : memref<65536xf32, #tpu.memory_space<vmem>>) target_semaphore(%run_scoped3A : memref<!tpu.dma_semaphore, #tpu.memory_space<semaphore_mem>>)
      %dma_wait3A = tpu.memref_slice %arg2[%mul3A_4] : memref<2097152xf32, #tpu.memory_space<hbm>> -> memref<65536xf32, #tpu.memory_space<hbm>>
      %dma_wait3A_39 = tpu.memref_slice %arg2[%mul3A_4] : memref<2097152xf32, #tpu.memory_space<hbm>> -> memref<65536xf32, #tpu.memory_space<hbm>>
      tpu.wait_dma2 semaphore(%run_scoped3A : memref<!tpu.dma_semaphore, #tpu.memory_space<semaphore_mem>>) src(%dma_wait3A_39 : memref<65536xf32, #tpu.memory_space<hbm>>) dst(%arg5 : memref<65536xf32, #tpu.memory_space<vmem>>)
      tpu.yield
    }) : () -> ()
    %iota3A = tpu.iota {dimensions = array<i32: 0>} : vector<16xi32>
    %lt3A = arith.constant 8 : i32
    %lt3A_5 = vector.broadcast %lt3A : i32 to vector<16xi32>
    %lt3A_6 = arith.cmpi slt, %iota3A, %lt3A_5 : vector<16xi32>
    %add3A_7 = arith.constant 0 : i32
    %add3A_8 = vector.broadcast %add3A_7 : i32 to vector<16xi32>
    %add3A_9 = arith.addi %add3A_8, %iota3A : vector<16xi32>
    %sub3A = arith.constant 63 : i32
    %sub3A_10 = vector.broadcast %sub3A : i32 to vector<16xi32>
    %sub3A_11 = arith.subi %sub3A_10, %add3A_9 : vector<16xi32>
    %add3A_12 = arith.constant 16 : i32
    %add3A_13 = vector.broadcast %add3A_12 : i32 to vector<16xi32>
    %add3A_14 = arith.addi %add3A_13, %iota3A : vector<16xi32>
    %sub3A_15 = arith.constant 63 : i32
    %sub3A_16 = vector.broadcast %sub3A_15 : i32 to vector<16xi32>
    %sub3A_17 = arith.subi %sub3A_16, %add3A_14 : vector<16xi32>
    %add3A_18 = arith.constant 32 : i32
    %add3A_19 = vector.broadcast %add3A_18 : i32 to vector<16xi32>
    %add3A_20 = arith.addi %add3A_19, %iota3A : vector<16xi32>
    %sub3A_21 = arith.constant 63 : i32
    %sub3A_22 = vector.broadcast %sub3A_21 : i32 to vector<16xi32>
    %sub3A_23 = arith.subi %sub3A_22, %add3A_20 : vector<16xi32>
    %add3A_24 = arith.constant 48 : i32
    %add3A_25 = vector.broadcast %add3A_24 : i32 to vector<16xi32>
    %add3A_26 = arith.addi %add3A_25, %iota3A : vector<16xi32>
    %sub3A_27 = arith.constant 63 : i32
    %sub3A_28 = vector.broadcast %sub3A_27 : i32 to vector<16xi32>
    %sub3A_29 = arith.subi %sub3A_28, %add3A_26 : vector<16xi32>
    %scan3A = arith.constant 0 : i32
    %scan3A_30 = arith.constant 1024 : i32
    %scan3A_31 = arith.addi %scan3A, %scan3A_30 : i32
    %scan3A_32 = arith.constant 1 : i32
    scf.for %scan3A_38 = %scan3A to %scan3A_31 step %scan3A_32  : i32 {
      %mul3A_39 = arith.constant 64 : i32
      %mul3A_40 = arith.muli %scan3A_38, %mul3A_39 : i32
      %add3A_41 = arith.constant 0 : i32
      %add3A_42 = arith.addi %mul3A_40, %add3A_41 : i32
      %get3A = arith.index_cast %add3A_42 : i32 to index
      %get3A_43 = tpu.vector_load %arg5[%get3A] {strides = array<i32>} : memref<65536xf32, #tpu.memory_space<vmem>>, vector<16xf32>,
      %bitcast_convert_type3A = tpu.bitcast %get3A_43 : vector<16xf32> -> vector<16xi32>
      %not3A = arith.constant 63 : i32
      %not3A_44 = arith.constant -1 : i32
      %not3A_45 = arith.xori %not3A, %not3A_44 : i32
      %and3A = vector.broadcast %not3A_45 : i32 to vector<16xi32>
      %and3A_46 = arith.andi %bitcast_convert_type3A, %and3A : vector<16xi32>
      %or3A = arith.ori %and3A_46, %sub3A_11 : vector<16xi32>
      %bitcast_convert_type3A_47 = tpu.bitcast %or3A : vector<16xi32> -> vector<16xf32>
      %masked_sort3A = arith.constant dense<true> : vector<16xi1>
      %masked_sort3A_48, %masked_sort3A_49, %masked_sort3A_50 = tpu.sort %bitcast_convert_type3A_47, %bitcast_convert_type3A_47 masked %masked_sort3A {descending = true} : (vector<16xf32>, vector<16xf32>, vector<16xi1>) -> (vector<16xi1>, vector<16xf32>, vector<16xf32>)
      %mul3A_51 = arith.constant 64 : i32
      %mul3A_52 = arith.muli %scan3A_38, %mul3A_51 : i32
      %add3A_53 = arith.constant 16 : i32
      %add3A_54 = arith.addi %mul3A_52, %add3A_53 : i32
      %get3A_55 = arith.index_cast %add3A_54 : i32 to index
      %get3A_56 = tpu.vector_load %arg5[%get3A_55] {strides = array<i32>} : memref<65536xf32, #tpu.memory_space<vmem>>, vector<16xf32>,
      %bitcast_convert_type3A_57 = tpu.bitcast %get3A_56 : vector<16xf32> -> vector<16xi32>
      %not3A_58 = arith.constant 63 : i32
      %not3A_59 = arith.constant -1 : i32
      %not3A_60 = arith.xori %not3A_58, %not3A_59 : i32
      %and3A_61 = vector.broadcast %not3A_60 : i32 to vector<16xi32>
      %and3A_62 = arith.andi %bitcast_convert_type3A_57, %and3A_61 : vector<16xi32>
      %or3A_63 = arith.ori %and3A_62, %sub3A_17 : vector<16xi32>
      %bitcast_convert_type3A_64 = tpu.bitcast %or3A_63 : vector<16xi32> -> vector<16xf32>
      %masked_sort3A_65 = arith.constant dense<true> : vector<16xi1>
      %masked_sort3A_66, %masked_sort3A_67, %masked_sort3A_68 = tpu.sort %bitcast_convert_type3A_64, %bitcast_convert_type3A_64 masked %masked_sort3A_65 {descending = true} : (vector<16xf32>, vector<16xf32>, vector<16xi1>) -> (vector<16xi1>, vector<16xf32>, vector<16xf32>)
      %mul3A_69 = arith.constant 64 : i32
      %mul3A_70 = arith.muli %scan3A_38, %mul3A_69 : i32
      %add3A_71 = arith.constant 32 : i32
      %add3A_72 = arith.addi %mul3A_70, %add3A_71 : i32
      %get3A_73 = arith.index_cast %add3A_72 : i32 to index
      %get3A_74 = tpu.vector_load %arg5[%get3A_73] {strides = array<i32>} : memref<65536xf32, #tpu.memory_space<vmem>>, vector<16xf32>,
      %bitcast_convert_type3A_75 = tpu.bitcast %get3A_74 : vector<16xf32> -> vector<16xi32>
      %not3A_76 = arith.constant 63 : i32
      %not3A_77 = arith.constant -1 : i32
      %not3A_78 = arith.xori %not3A_76, %not3A_77 : i32
      %and3A_79 = vector.broadcast %not3A_78 : i32 to vector<16xi32>
      %and3A_80 = arith.andi %bitcast_convert_type3A_75, %and3A_79 : vector<16xi32>
      %or3A_81 = arith.ori %and3A_80, %sub3A_23 : vector<16xi32>
      %bitcast_convert_type3A_82 = tpu.bitcast %or3A_81 : vector<16xi32> -> vector<16xf32>
      %masked_sort3A_83 = arith.constant dense<true> : vector<16xi1>
      %masked_sort3A_84, %masked_sort3A_85, %masked_sort3A_86 = tpu.sort %bitcast_convert_type3A_82, %bitcast_convert_type3A_82 masked %masked_sort3A_83 {descending = true} : (vector<16xf32>, vector<16xf32>, vector<16xi1>) -> (vector<16xi1>, vector<16xf32>, vector<16xf32>)
      %mul3A_87 = arith.constant 64 : i32
      %mul3A_88 = arith.muli %scan3A_38, %mul3A_87 : i32
      %add3A_89 = arith.constant 48 : i32
      %add3A_90 = arith.addi %mul3A_88, %add3A_89 : i32
      %get3A_91 = arith.index_cast %add3A_90 : i32 to index
      %get3A_92 = tpu.vector_load %arg5[%get3A_91] {strides = array<i32>} : memref<65536xf32, #tpu.memory_space<vmem>>, vector<16xf32>,
      %bitcast_convert_type3A_93 = tpu.bitcast %get3A_92 : vector<16xf32> -> vector<16xi32>
      %not3A_94 = arith.constant 63 : i32
      %not3A_95 = arith.constant -1 : i32
      %not3A_96 = arith.xori %not3A_94, %not3A_95 : i32
      %and3A_97 = vector.broadcast %not3A_96 : i32 to vector<16xi32>
      %and3A_98 = arith.andi %bitcast_convert_type3A_93, %and3A_97 : vector<16xi32>
      %or3A_99 = arith.ori %and3A_98, %sub3A_29 : vector<16xi32>
      %bitcast_convert_type3A_100 = tpu.bitcast %or3A_99 : vector<16xi32> -> vector<16xf32>
      %masked_sort3A_101 = arith.constant dense<true> : vector<16xi1>
      %masked_sort3A_102, %masked_sort3A_103, %masked_sort3A_104 = tpu.sort %bitcast_convert_type3A_100, %bitcast_convert_type3A_100 masked %masked_sort3A_101 {descending = true} : (vector<16xf32>, vector<16xf32>, vector<16xi1>) -> (vector<16xi1>, vector<16xf32>, vector<16xf32>)
      %rev3A = arith.constant 15 : i32
      %rev3A_105 = vector.broadcast %rev3A : i32 to vector<16xi32>
      %rev3A_106 = tpu.iota {dimensions = array<i32: 0>} : vector<16xi32>
      %rev3A_107 = arith.subi %rev3A_105, %rev3A_106 : vector<16xi32>
      %rev3A_108 = tpu.dynamic_gather %masked_sort3A_67[%rev3A_107] in [0] : vector<16xf32>, vector<16xi32> -> vector<16xf32>
      %select_n3A = arith.select %lt3A_6, %masked_sort3A_49, %rev3A_108 : vector<16xi1>, vector<16xf32>
      %masked_sort3A_109 = arith.constant dense<true> : vector<16xi1>
      %masked_sort3A_110, %masked_sort3A_111, %masked_sort3A_112 = tpu.sort %select_n3A, %select_n3A masked %masked_sort3A_109 {descending = true} : (vector<16xf32>, vector<16xf32>, vector<16xi1>) -> (vector<16xi1>, vector<16xf32>, vector<16xf32>)
      %rev3A_113 = arith.constant 15 : i32
      %rev3A_114 = vector.broadcast %rev3A_113 : i32 to vector<16xi32>
      %rev3A_115 = tpu.iota {dimensions = array<i32: 0>} : vector<16xi32>
      %rev3A_116 = arith.subi %rev3A_114, %rev3A_115 : vector<16xi32>
      %rev3A_117 = tpu.dynamic_gather %masked_sort3A_103[%rev3A_116] in [0] : vector<16xf32>, vector<16xi32> -> vector<16xf32>
      %select_n3A_118 = arith.select %lt3A_6, %masked_sort3A_85, %rev3A_117 : vector<16xi1>, vector<16xf32>
      %masked_sort3A_119 = arith.constant dense<true> : vector<16xi1>
      %masked_sort3A_120, %masked_sort3A_121, %masked_sort3A_122 = tpu.sort %select_n3A_118, %select_n3A_118 masked %masked_sort3A_119 {descending = true} : (vector<16xf32>, vector<16xf32>, vector<16xi1>) -> (vector<16xi1>, vector<16xf32>, vector<16xf32>)
      %rev3A_123 = arith.constant 15 : i32
      %rev3A_124 = vector.broadcast %rev3A_123 : i32 to vector<16xi32>
      %rev3A_125 = tpu.iota {dimensions = array<i32: 0>} : vector<16xi32>
      %rev3A_126 = arith.subi %rev3A_124, %rev3A_125 : vector<16xi32>
      %rev3A_127 = tpu.dynamic_gather %masked_sort3A_121[%rev3A_126] in [0] : vector<16xf32>, vector<16xi32> -> vector<16xf32>
      %select_n3A_128 = arith.select %lt3A_6, %masked_sort3A_111, %rev3A_127 : vector<16xi1>, vector<16xf32>
      %masked_sort3A_129 = arith.constant dense<true> : vector<16xi1>
      %masked_sort3A_130, %masked_sort3A_131, %masked_sort3A_132 = tpu.sort %select_n3A_128, %select_n3A_128 masked %masked_sort3A_129 {descending = true} : (vector<16xf32>, vector<16xf32>, vector<16xi1>) -> (vector<16xi1>, vector<16xf32>, vector<16xf32>)
      %bitcast_convert_type3A_133 = tpu.bitcast %masked_sort3A_131 : vector<16xf32> -> vector<16xi32>
      %and3A_134 = arith.constant 63 : i32
      %and3A_135 = vector.broadcast %and3A_134 : i32 to vector<16xi32>
      %and3A_136 = arith.andi %bitcast_convert_type3A_133, %and3A_135 : vector<16xi32>
      %sub3A_137 = arith.constant 63 : i32
      %sub3A_138 = vector.broadcast %sub3A_137 : i32 to vector<16xi32>
      %sub3A_139 = arith.subi %sub3A_138, %and3A_136 : vector<16xi32>
      %lt3A_140 = arith.constant 8 : i32
      %lt3A_141 = vector.broadcast %lt3A_140 : i32 to vector<16xi32>
      %lt3A_142 = arith.cmpi slt, %iota3A, %lt3A_141 : vector<16xi32>
      %mul3A_143 = arith.constant 8 : i32
      %mul3A_144 = arith.muli %scan3A_38, %mul3A_143 : i32
      %swap3A = arith.index_cast %mul3A_144 : i32 to index
      %swap3A_145 = tpu.vector_load %arg6[%swap3A] masked %lt3A_142 {strides = array<i32>} : memref<8200xf32, #tpu.memory_space<vmem>>, vector<16xf32>, vector<16xi1>
      tpu.vector_store %arg6[%swap3A], %masked_sort3A_131 masked %lt3A_142 {strides = array<i32>} : memref<8200xf32, #tpu.memory_space<vmem>>, vector<16xf32>, vector<16xi1>
      %mul3A_146 = arith.constant 8 : i32
      %mul3A_147 = arith.muli %scan3A_38, %mul3A_146 : i32
      %swap3A_148 = arith.index_cast %mul3A_147 : i32 to index
      %swap3A_149 = tpu.vector_load %arg7[%swap3A_148] masked %lt3A_142 {strides = array<i32>} : memref<8200xi32, #tpu.memory_space<vmem>>, vector<16xi32>, vector<16xi1>
      tpu.vector_store %arg7[%swap3A_148], %sub3A_139 masked %lt3A_142 {strides = array<i32>} : memref<8200xi32, #tpu.memory_space<vmem>>, vector<16xi32>, vector<16xi1>
    }
    %scan3A_33 = arith.constant 1024 : i32
    %mul3A_34 = arith.constant 8 : i32
    %mul3A_35 = arith.muli %mul3A_2, %mul3A_34 : i32
    "tpu.region"() ({
      %run_scoped3A = tpu.sem_alloc : memref<!tpu.dma_semaphore, #tpu.memory_space<semaphore_mem>>
      %dma_start3A = arith.constant 0 : i32
      %dma_start3A_38 = tpu.memref_slice %arg6[%dma_start3A] : memref<8200xf32, #tpu.memory_space<vmem>> -> memref<8192xf32, #tpu.memory_space<vmem>>
      %dma_start3A_39 = tpu.memref_slice %arg3[%mul3A_35] : memref<262144xf32, #tpu.memory_space<hbm>> -> memref<8192xf32, #tpu.memory_space<hbm>>
      %dma_start3A_40 = tpu.memref_slice %arg3[%mul3A_35] : memref<262144xf32, #tpu.memory_space<hbm>> -> memref<8192xf32, #tpu.memory_space<hbm>>
      %dma_start3A_41 = arith.constant 0 : i32
      %dma_start3A_42 = tpu.memref_slice %arg6[%dma_start3A_41] : memref<8200xf32, #tpu.memory_space<vmem>> -> memref<8192xf32, #tpu.memory_space<vmem>>
      tpu.enqueue_dma source(%dma_start3A_42 : memref<8192xf32, #tpu.memory_space<vmem>>) target(%dma_start3A_40 : memref<8192xf32, #tpu.memory_space<hbm>>) target_semaphore(%run_scoped3A : memref<!tpu.dma_semaphore, #tpu.memory_space<semaphore_mem>>)
      %dma_wait3A = arith.constant 0 : i32
      %dma_wait3A_43 = tpu.memref_slice %arg6[%dma_wait3A] : memref<8200xf32, #tpu.memory_space<vmem>> -> memref<8192xf32, #tpu.memory_space<vmem>>
      %dma_wait3A_44 = tpu.memref_slice %arg3[%mul3A_35] : memref<262144xf32, #tpu.memory_space<hbm>> -> memref<8192xf32, #tpu.memory_space<hbm>>
      %dma_wait3A_45 = tpu.memref_slice %arg3[%mul3A_35] : memref<262144xf32, #tpu.memory_space<hbm>> -> memref<8192xf32, #tpu.memory_space<hbm>>
      %dma_wait3A_46 = arith.constant 0 : i32
      %dma_wait3A_47 = tpu.memref_slice %arg6[%dma_wait3A_46] : memref<8200xf32, #tpu.memory_space<vmem>> -> memref<8192xf32, #tpu.memory_space<vmem>>
      tpu.wait_dma2 semaphore(%run_scoped3A : memref<!tpu.dma_semaphore, #tpu.memory_space<semaphore_mem>>) src(%dma_wait3A_47 : memref<8192xf32, #tpu.memory_space<vmem>>) dst(%dma_wait3A_45 : memref<8192xf32, #tpu.memory_space<hbm>>)
      tpu.yield
    }) : () -> ()
    %mul3A_36 = arith.constant 8 : i32
    %mul3A_37 = arith.muli %mul3A_2, %mul3A_36 : i32
    "tpu.region"() ({
      %run_scoped3A = tpu.sem_alloc : memref<!tpu.dma_semaphore, #tpu.memory_space<semaphore_mem>>
      %dma_start3A = arith.constant 0 : i32
      %dma_start3A_38 = tpu.memref_slice %arg7[%dma_start3A] : memref<8200xi32, #tpu.memory_space<vmem>> -> memref<8192xi32, #tpu.memory_space<vmem>>
      %dma_start3A_39 = tpu.memref_slice %arg4[%mul3A_37] : memref<262144xi32, #tpu.memory_space<hbm>> -> memref<8192xi32, #tpu.memory_space<hbm>>
      %dma_start3A_40 = tpu.memref_slice %arg4[%mul3A_37] : memref<262144xi32, #tpu.memory_space<hbm>> -> memref<8192xi32, #tpu.memory_space<hbm>>
      %dma_start3A_41 = arith.constant 0 : i32
      %dma_start3A_42 = tpu.memref_slice %arg7[%dma_start3A_41] : memref<8200xi32, #tpu.memory_space<vmem>> -> memref<8192xi32, #tpu.memory_space<vmem>>
      tpu.enqueue_dma source(%dma_start3A_42 : memref<8192xi32, #tpu.memory_space<vmem>>) target(%dma_start3A_40 : memref<8192xi32, #tpu.memory_space<hbm>>) target_semaphore(%run_scoped3A : memref<!tpu.dma_semaphore, #tpu.memory_space<semaphore_mem>>)
      %dma_wait3A = arith.constant 0 : i32
      %dma_wait3A_43 = tpu.memref_slice %arg7[%dma_wait3A] : memref<8200xi32, #tpu.memory_space<vmem>> -> memref<8192xi32, #tpu.memory_space<vmem>>
      %dma_wait3A_44 = tpu.memref_slice %arg4[%mul3A_37] : memref<262144xi32, #tpu.memory_space<hbm>> -> memref<8192xi32, #tpu.memory_space<hbm>>
      %dma_wait3A_45 = tpu.memref_slice %arg4[%mul3A_37] : memref<262144xi32, #tpu.memory_space<hbm>> -> memref<8192xi32, #tpu.memory_space<hbm>>
      %dma_wait3A_46 = arith.constant 0 : i32
      %dma_wait3A_47 = tpu.memref_slice %arg7[%dma_wait3A_46] : memref<8200xi32, #tpu.memory_space<vmem>> -> memref<8192xi32, #tpu.memory_space<vmem>>
      tpu.wait_dma2 semaphore(%run_scoped3A : memref<!tpu.dma_semaphore, #tpu.memory_space<semaphore_mem>>) src(%dma_wait3A_47 : memref<8192xi32, #tpu.memory_space<vmem>>) dst(%dma_wait3A_45 : memref<8192xi32, #tpu.memory_space<hbm>>)
      tpu.yield
    }) : () -> ()
    return
  }
}

module attributes {stable_mosaic.version = 14 : i64} {
  func.func @_probs_block(%arg0: i32, %arg1: memref<512x4096xf32, #tpu.memory_space<vmem>>, %arg2: memref<4096x64xf32, #tpu.memory_space<vmem>>, %arg3: memref<512x64xf32, #tpu.memory_space<vmem>>) attributes {dimension_semantics = [#tpu.dimension_semantics<arbitrary>], iteration_bounds = array<i64: 64>, scalar_prefetch = 0 : i64, scratch_operands = 0 : i64, tpu.core_type = #tpu.core_type<tc>, window_params = [{transform_indices = @transform_0, window_bounds = array<i64: 512, 4096>}, {pipeline_mode = #tpu.pipeline_mode<synchronous>, transform_indices = @transform_1, window_bounds = array<i64: 4096, 64>}, {transform_indices = @transform_2, window_bounds = array<i64: 512, 64>}]} {
    %get3A = arith.constant 0 : index
    %get3A_0 = arith.constant 0 : index
    %get3A_1 = vector.load %arg1[%get3A, %get3A_0] : memref<512x4096xf32, #tpu.memory_space<vmem>>, vector<512x4096xf32>
    %get3A_2 = arith.constant 0 : index
    %get3A_3 = arith.constant 0 : index
    %get3A_4 = vector.load %arg2[%get3A_2, %get3A_3] : memref<4096x64xf32, #tpu.memory_space<vmem>>, vector<4096x64xf32>
    %dot_general3A = arith.constant dense<0.000000e+00> : vector<512x64xf32>
    %dot_general3A_5 = tpu.matmul %get3A_1, %get3A_4, %dot_general3A {dimension_numbers = #tpu.dot_dimension_numbers<[1], [0], [0], [1], [0, 0, 1, 1], [], []>, transpose_lhs_hint = false} : vector<512x4096xf32>, vector<4096x64xf32>, vector<512x64xf32> -> vector<512x64xf32>
    %reduce_max3A = arith.constant dense<0xFF800000> : vector<512xf32>
    %reduce_max3A_6 = vector.multi_reduction <maximumf>, %dot_general3A_5, %reduce_max3A [1] : vector<512x64xf32> to vector<512xf32>
    %broadcast_in_dim3A = vector.shape_cast %reduce_max3A_6 : vector<512xf32> to vector<512x1xf32>
    %sub3A = vector.broadcast %broadcast_in_dim3A : vector<512x1xf32> to vector<512x64xf32>
    %sub3A_7 = arith.subf %dot_general3A_5, %sub3A : vector<512x64xf32>
    %exp3A = math.exp %sub3A_7 : vector<512x64xf32>
    %reduce_sum3A = arith.constant dense<0.000000e+00> : vector<512xf32>
    %reduce_sum3A_8 = vector.multi_reduction <add>, %exp3A, %reduce_sum3A [1] : vector<512x64xf32> to vector<512xf32>
    %broadcast_in_dim3A_9 = vector.shape_cast %reduce_sum3A_8 : vector<512xf32> to vector<512x1xf32>
    %div3A = vector.broadcast %broadcast_in_dim3A_9 : vector<512x1xf32> to vector<512x64xf32>
    %div3A_10 = arith.divf %exp3A, %div3A : vector<512x64xf32>
    %swap3A = arith.constant 0 : index
    %swap3A_11 = arith.constant 0 : index
    %swap3A_12 = vector.load %arg3[%swap3A, %swap3A_11] : memref<512x64xf32, #tpu.memory_space<vmem>>, vector<512x64xf32>
    tpu.vector_store %arg3[%swap3A, %swap3A_11], %div3A_10 {strides = array<i32>} : memref<512x64xf32, #tpu.memory_space<vmem>>, vector<512x64xf32>,
    return
  }
  func.func @transform_0(%arg0: i32) -> (i32, i32) {
    %c0_i32 = arith.constant 0 : i32
    %c0_i32_0 = arith.constant 0 : i32
    return %arg0, %c0_i32 : i32, i32
  }
  func.func @transform_1(%arg0: i32) -> (i32, i32) {
    %c0_i32 = arith.constant 0 : i32
    %c0_i32_0 = arith.constant 0 : i32
    %c0_i32_1 = arith.constant 0 : i32
    return %c0_i32, %c0_i32_0 : i32, i32
  }
  func.func @transform_2(%arg0: i32) -> (i32, i32) {
    %c0_i32 = arith.constant 0 : i32
    %c0_i32_0 = arith.constant 0 : i32
    return %arg0, %c0_i32 : i32, i32
  }
}

</mosaic_0001>

<sc_bundles>
// kernel: kernel.4.cloned.1.call-start
scs
__scs_entry_jumppad:
0x0: {  	(pc) =	sbr.rel $0x88, $3  }
0x1: {  	(tag) =	ssettag $0x0;
	lr =	simm.s32 $0x1  }
0x2: {  	[smem:$0x3F9F] =	sst lr;
	_ =	strace $0xD0000000  }
0x3: {  	_ = 	snop  }
0x4: {  	_ = 	snop  }
0x5: {  	_ = 	snop  }
0x6: {  	_ = 	snop  }
0x7: {  	_ = 	snop  }
__scs_overlays_trampoline_lowered:
0x8: {  	[smem:$0x3FAE] =	sst s0  }
0x9: {  	[smem:$0x3FAF] =	sst s1  }
0xa: {  	[smem:$0x3FB0] =	sst s2  }
0xb: {  	[smem:$0x3FB1] =	sst s3  }
0xc: {  	[smem:$0x3FB2] =	sst s4  }
0xd: {  	[smem:$0x3FB3] =	sst s5  }
0xe: {  	[smem:$0x3FB4] =	sst s6  }
0xf: {  	[smem:$0x3FB5] =	sst s7  }
0x10: {  	[smem:$0x3FB6] =	sst s8  }
0x11: {  	[smem:$0x3FB7] =	sst s9;
	s0 =	simm.s32 @!p0 $0x0  }
0x12: {  	s1 =	sld [smem:$0x3F9D];
	s0 =	simm.s32 @p0 $0x1  }
0x13: {  	[smem:$0x3FB8] =	sst s0;
	s0 =	simm.s32 @!p1 $0x0  }
0x14: {  	s2 =	sld [smem:$0x3F9C];
	s0 =	simm.s32 @p1 $0x1  }
0x15: {  	[smem:$0x3FB9] =	sst s0;
	s0 =	simm.s32 @!p2 $0x0  }
0x16: {  	s3 =	sld [smem:$0x3FDB];
	s0 =	simm.s32 @p2 $0x1  }
0x17: {  	s4 =	simm.s32 $0x1BF5;
	[smem:$0x3FBB] =	sst s0  }
0x18: {  	s0 =	sld [smem:$0x3F9E];
	_ =	swait.ge [sflag:s4], $0x0  }
0x19: {  	s7 =	sld [smem:$0x3F9F]  }
0x1a: {  	s8 =	sadd.s32 $0xFFFFE003, lr  }
0x1b: {  	s9 =	sadd.s32 $0xFFFFFEF7, lr;
	s5 =	simm.s32 $0xFFFFFFFF;
	p2 =	slt.u32 s8, $0xFFFFF086  }
0x1c: {  	p1 =	slt.u32 s9, $0xF7A;
	s5 =	simm.s32 @!p2 $0x0  }
0x1d: {  	s5 =	simm.s32 @p1 $0x1;
	p0 =	seq.s32 s7, s2  }
0x1e: {  	s7 =	smul.u32 @!p0 $0xF7A, s2;
	p2 =	seq.s32 @!p0 s5, $0x0  }
0x1f: {  	s9 =	smul.u32 $0xF7A, s1;
	s8 =	simm.s32 @!p0 $0x1BF5;
	p2 =	por !p2, p0  }
0x20: {  	[sflag:s8] =	ssyncset.s32 @!p0 $0xFFFFF086;
	s6 =	sadd.s32 @!p0 s3, s7;
	s7 =	simm.s32 @!p0 $0x108  }
0x21: {  	s3 =	sadd.s32 s3, s9;
	s6 =	sadd.s32 @!p0 $0x88, s6;
	s7 =	simm.s32 @p2 $0x1082  }
0x22: {  	[simem:s7], [sflag:s8] =	dma.local @!p0 [hbm:s6], $0xF7A  }
0x23: {  	s9 =	sor.u32 $0xD0000000, s2;
	s6 =	simm.s32 $0x108;
	_ =	swait.ge @!p0 [sflag:s8], $0x0  }
0x24: {  	s3 =	sadd.s32 $0x88, s3;
	s6 =	simm.s32 @!p1 $0x1082;
	[sflag:s4] =	ssyncset.s32 $0xFFFFF086  }
0x25: {  	[simem:s6], [sflag:s4] =	dma.local [hbm:s3], $0xF7A  }
0x26: {  	[smem:$0x3F9F] =	sst s1;
	(tag) =	ssettag s2;
	_ =	strace s9  }
0x27: {  	s1 =	sld [smem:$0x3FAF]  }
0x28: {  	s2 =	sld [smem:$0x3FB0]  }
0x29: {  	s4 =	sld [smem:$0x3FB2]  }
0x2a: {  	p0 =	seq.s32 s5, $0x0;
	s5 =	sld [smem:$0x3FB3]  }
0x2b: {  	s6 =	sld [smem:$0x3FB4]  }
0x2c: {  	s7 =	sld [smem:$0x3FB5]  }
0x2d: {  	s3 =	simm.s32 $0x108;
	s8 =	sld [smem:$0x3FB6]  }
0x2e: {  	s3 =	simm.s32 @!p0 $0x1082;
	s9 =	sld [smem:$0x3FB7]  }
0x2f: {  	lr =	sadd.s32 s0, s3;
	s0 =	sld [smem:$0x3FAE]  }
0x30: {  	s3 =	sld [smem:$0x3FB1]  }
0x31: {  	[smem:$0x3FBA] =	sst s10  }
0x32: {  	s10 =	sld [smem:$0x3FB8];
	_ =	sdelay $0x3  }
0x33: {  	p0 =	seq.s32 s10, $0x1;
	s10 =	sld [smem:$0x3FBA];
	_ =	sdelay $0x3  }
0x34: {  	[smem:$0x3FBA] =	sst s10  }
0x35: {  	s10 =	sld [smem:$0x3FB9];
	_ =	sdelay $0x3  }
0x36: {  	p1 =	seq.s32 s10, $0x1;
	s10 =	sld [smem:$0x3FBA];
	_ =	sdelay $0x3  }
0x37: {  	[smem:$0x3FBA] =	sst s10  }
0x38: {  	s10 =	sld [smem:$0x3FBB]  }
0x39: {  	_ = 	snop;
	(pc) =	sbr.ind lr, $3  }
0x3a: {  	_ = 	snop  }
0x3b: {  	_ = 	snop  }
0x3c: {  	p2 =	seq.s32 s10, $0x1;
	s10 =	sld [smem:$0x3FBA]  }
0x3d: {  	_ =	shalt  }
0x3e: {  	_ =	shalt  }
0x3f: {  	_ =	shalt  }
0x40: {  	_ =	shalt  }
0x41: {  	_ =	shalt  }
0x42: {  	_ =	shalt  }
0x43: {  	_ =	shalt  }
0x44: {  	_ =	shalt  }
0x45: {  	_ =	shalt  }
0x46: {  	_ =	shalt  }
0x47: {  	_ =	shalt  }
0x48: {  	_ =	shalt  }
0x49: {  	_ =	shalt  }
0x4a: {  	_ =	shalt  }
0x4b: {  	_ =	shalt  }
0x4c: {  	_ =	shalt  }
0x4d: {  	_ =	shalt  }
0x4e: {  	_ =	shalt  }
0x4f: {  	_ =	shalt  }
0x50: {  	_ =	shalt  }
0x51: {  	_ =	shalt  }
0x52: {  	_ =	shalt  }
0x53: {  	_ =	shalt  }
0x54: {  	_ =	shalt  }
0x55: {  	_ =	shalt  }
0x56: {  	_ =	shalt  }
0x57: {  	_ =	shalt  }
0x58: {  	_ =	shalt  }
0x59: {  	_ =	shalt  }
0x5a: {  	_ =	shalt  }
0x5b: {  	_ =	shalt  }
0x5c: {  	_ =	shalt  }
0x5d: {  	_ =	shalt  }
0x5e: {  	_ =	shalt  }
0x5f: {  	_ =	shalt  }
0x60: {  	_ =	shalt  }
0x61: {  	_ =	shalt  }
0x62: {  	_ =	shalt  }
0x63: {  	_ =	shalt  }
0x64: {  	_ =	shalt  }
0x65: {  	_ =	shalt  }
0x66: {  	_ =	shalt  }
0x67: {  	_ =	shalt  }
0x68: {  	_ =	shalt  }
0x69: {  	_ =	shalt  }
0x6a: {  	_ =	shalt  }
0x6b: {  	_ =	shalt  }
0x6c: {  	_ =	shalt  }
0x6d: {  	_ =	shalt  }
0x6e: {  	_ =	shalt  }
0x6f: {  	_ =	shalt  }
0x70: {  	_ =	shalt  }
0x71: {  	_ =	shalt  }
0x72: {  	_ =	shalt  }
0x73: {  	_ =	shalt  }
0x74: {  	_ =	shalt  }
0x75: {  	_ =	shalt  }
0x76: {  	_ =	shalt  }
0x77: {  	_ =	shalt  }
0x78: {  	_ =	shalt  }
0x79: {  	_ =	shalt  }
0x7a: {  	_ =	shalt  }
0x7b: {  	_ =	shalt  }
0x7c: {  	_ =	shalt  }
0x7d: {  	_ =	shalt  }
0x7e: {  	_ =	shalt  }
0x7f: {  	_ =	shalt  }
0x80: {  	_ =	shalt  }
0x81: {  	_ =	shalt  }
0x82: {  	_ =	shalt  }
0x83: {  	_ =	shalt  }
0x84: {  	_ =	shalt  }
0x85: {  	_ =	shalt  }
0x86: {  	_ =	shalt  }
0x87: {  	_ =	shalt  }
.Lfunc_end0:
.L_simem_size_0:
called_computation_lowered:
.L_overlay_start_0:
0x88: {  	s2 =	sld [smem:$0x3FD9]  }
0x89: {  	s3 =	sld [smem:$0x3FFE];
	_ =	sdelay $0x1  }
0x8a: {  	s1 =	srdreg.scid  }
0x8b: {  	s0 =	sand.u32 $0x1, s1  }
0x8c: {  	s14 =	sshll.u32 s0, $0xA;
	s2 =	sadd.s32 s3, s2  }
0x8d: {  	s2 =	sadd.s32 s2, s14  }
0x8e: {  	[smem:$0x3FC6] =	sst s2  }
0x8f: {  	_ = 	snop  }
0x90: {  	s2 =	sld [smem:$0x3FD0];
	_ =	sdelay $0x2  }
0x91: {  	s15 =	simm.s32 $0xA;
	s4 =	simm.s32 $0x10  }
0x92: {  	[smem:s4], [sflag:s15] =	dma.local [hbm:s2], $0x1  }
0x93: {  	_ =	swait.eq [sflag:s15], $0x1  }
0x94: {  	[sflag:s15] =	ssyncset.done $0x0  }
0x95: {  	[sflag:s15] =	ssyncadd.s32 $0xFFFFFFFF  }
0x96: {  	s16 =	sld [smem:$0x11];
	(tm) =	ssettm $0x1  }
0x97: {  	s17 =	sld [smem:$0x3FFB];
	_ =	sdelay $0x3  }
0x98: {  	_ =	strace s17  }
0x99: {  	s3 =	sld [smem:$0x3FFC];
	_ =	sdelay $0x3  }
0x9a: {  	_ =	strace s3  }
0x9b: {  	s3 =	sld [smem:$0x3FFD];
	_ =	sdelay $0x3  }
0x9c: {  	_ =	strace s3  }
0x9d: {  	_ =	strace $0x8FFFFFFF  }
0x9e: {  	s18 =	sld [smem:$0x3FDB];
	_ =	sdelay $0x1  }
0x9f: {  	s19 =	simm.s32 $_scs_section_size  }
0xa0: {  	s5 =	simm.s32 $_size__tile_overlayer_lowered;
	s6 =	simm.s32 $_tile_overlayer_lowered  }
0xa1: {  	s22 =	simm.s32 $0x1BFF;
	s21 =	sshll.u32 s6, $0x1;
	s3 =	sadd.s32 s19, s18  }
0xa2: {  	s7 =	simm.s32 $0x0;
	s20 =	sshll.u32 s5, $0x1;
	s5 =	sadd.s32 s21, s3  }
0xa3: {  	[timem:s7], [sflag:s22] =	dma.local [hbm:s5], s20  }
0xa4: {  	_ =	swait.ge [sflag:s22], s20  }
0xa5: {  	s4 =	ssub.s32 $0x0, s20;
	[sflag:s22] =	ssyncset.done $0x0  }
0xa6: {  	[sflag:s22] =	ssyncadd.s32 s4;
	_ =	sdelay $0x1  }
0xa7: {  	s23 =	simm.s32 $0x1B8B  }
0xa8: {  	_ =	swait.ge [sflag:s23], $0x1  }
0xa9: {  	[sflag:s23] =	ssyncset.done $0x0  }
0xaa: {  	s25 =	simm.s32 $0x1B8E;
	s24 =	sld [smem:$0x3FFE];
	[sflag:s23] =	ssyncadd.s32 $0xFFFFFFFF  }
0xab: {  	s26 =	simm.s32 $execute0_lowered;
	[smem:$0x3FD2] =	sst s25  }
0xac: {  	s5 =	sshll.u32 s26, $0x1;
	_ =	strace $0x80000046;
	[dreg:$0x1] =	wrdreg $0xFFFFFFFF  }
0xad: {  	s28 =	simm.s32 $_size_execute0_lowered;
	s3 =	sadd.s32 s3, s5;
	[dreg:$0x0] =	wrdreg $0x0  }
0xae: {  	s5 =	sshll.u32 s28, $0x1;
	[dreg:$0x2] =	wrdreg s3  }
0xaf: {  	[dreg:$0x3] =	wrdreg s5  }
0xb0: {  	[dreg:$0x4] =	wrdreg $0xC0  }
0xb1: {  	_ =	task [dreg:s7], $0x5FFFF  }
0xb2: {  	[dreg:$0x1] =	wrdreg $0xFFFFFFFF  }
0xb3: {  	[dreg:$0x0] =	wrdreg $0x60  }
0xb4: {  	[dreg:$0x2] =	wrdreg s24  }
0xb5: {  	[dreg:$0x3] =	wrdreg s16  }
0xb6: {  	[dreg:$0x4] =	wrdreg $0x9  }
0xb7: {  	_ =	task.clear_ibuf [dreg:s7], $0x5FFFF;
	_ =	strace $0x90000046  }
0xb8: {  	s29 =	simm.s32 $0x9;
	_ =	strace $0x80000048  }
0xb9: {  	_ =	swait.ge [sflag:s29], $0x1  }
0xba: {  	[sflag:s29] =	ssyncadd.s32 $0xFFFFFFFF  }
0xbb: {  	_ =	strace $0x90000048  }
0xbc: {  	_ =	sfence  }
0xbd: {  	s30 =	sld [smem:$0x0];
	_ =	sdelay $0x2  }
0xbe: {  	s31 =	sshll.u32 s1, $0xD;
	s1 =	sshrl.u32 s1, $0x2  }
0xbf: {  	s3 =	sand.u32 $0x4000, s31;
	s1 =	sadd.s32 s1, s30  }
0xc0: {  	s0 =	sor.u32 s3, s0;
	s1 =	sshll.u32 s1, $0x11  }
0xc1: {  	s0 =	sor.u32 s1, s0  }
0xc2: {  	s0 =	sadd.s32 $0x8F2B, s0  }
0xc3: {  	[sflag:s0] =	ssyncadd.remote.s32 $0x1  }
0xc4: {  	_ =	sfence.sel $0xFFFF  }
0xc5: {  	[dreg:$0x0] =	wrdreg $0xFFFFFFFF;
	(pc) =	sbr.abs _section_cstart, $3  }
0xc6: {  	[dreg:$0x1] =	wrdreg $0xFFFFFFFF  }
0xc7: {  	_ =	task.clear_ibuf [dreg:s7], $0x2FFFF;
	_ =	strace $0x9FFFFFFF  }
0xc8: {  	(tm) =	ssettm $0x7FFFFFFF  }
0xc9: {  	_ =	shalt  }
tec
execute0_lowered:
.L_overlay_start_1:
0x0: {  	(tag) =	ssettag $0x1  }
0x1: {  	s3 =	rddreg [dreg:$0x0]  }
0x2: {  	s4 =	rddreg [dreg:$0x1]  }
0x3: {  	s0 =	rddreg [dreg:$0x2]  }
0x4: {  	s5 =	srdreg.scid;
	s1 =	stileid.u32  }
0x5: {  	s2 =	simm.s32 $0x0;
	s5 =	sand.u32 $0x1, s5;
	s6 =	sshll.u32 s1, $0x1  }
0x6: {  	s10 =	simm.s32 $0x0;
	[smem:$0x7FF] =	sst s2;
	s6 =	sor.u32 s5, s6  }
0x7: {  	v0 =	vlaneseq.u32;
	_ =	strace $0x80000047;
	s5 =	ssub.s32 $0x2, s5;
	s7 =	sshll.u32 s6, $0xD  }
0x8: {  	v3 =	vmul.u32 $0xFFFFFFFF, v0;
	s6 =	sshll.u32 s6, $0xA;
	s31 =	sshrl.u32 s5, $0x1;
	s7 =	sadd.s32 s7, s3  }
0x9: {  	s8 =	sadd.s32 s6, s3;
	s9 =	ssub.s32 s5, s31;
	s4 =	sadd.s32 s4, s6  }
0xa: {  	vm0 =	vmmov $0xff;
	v0 =	vadd.s32 $0x3F, v3;
	s3 =	sadd.s32 $0xA00, s7;
	s5 =	sadd.s32 $0x40A00, s8;
	s6 =	smax.u32 s9, $0x1  }
0xb: {  	v1 =	vadd.s32 $0x2F, v3;
	v2 =	vadd.s32 $0x1F, v3;
	v3 =	vadd.s32 $0xF, v3;
	s7 =	simm.s32 $0x1;
	s8 =	simm.s32 $0x10000;
	s9 =	simm.s32 $0x12080  }
.LBB2_1:
0xc: {  	[tilespmem:s2], [sflag:$0x1] =	stream.linear.gather [hbm4b:s3+s2], $0x10000, $0x38;
	[tilespmem:$0x14100] =	vst v63  }
0xd: {  	_ =	swait.ge [sflag:s7], $0x10000  }
0xe: {  	[sflag:s7] =	ssyncset.done $0x0  }
0xf: {  	s11 =	simm.s32 $0x20;
	[sflag:s7] =	ssyncadd.s32 $0xFFFF0000  }
0x10: {  	v4 =	vld [tilespmem:s11+$0x10]  }
0x11: {  	v5 =	vld [tilespmem:s11+$0x0]  }
0x12: {  	v6 =	vld [tilespmem:s11+$0xFFFFFFF0];
	_ =	sdelay $0x1  }
0x13: {  	v7 =	vld [tilespmem:s11+$0xFFFFFFE0]  }
0x14: {  	v4 =	vand.u32 $0xFFFFFFC0, v4  }
0x15: {  	v5 =	vand.u32 $0xFFFFFFC0, v5;
	v4 =	vor.u32 v3, v4  }
0x16: {  	v6 =	vand.u32 $0xFFFFFFC0, v6;
	v5 =	vor.u32 v2, v5;
	(xrf1) =	vsort.dscd.msk.f32 $0xffff, v4, v4  }
0x17: {  	v4 =	vor.u32 v1, v6;
	(xrf1) =	vsort.dscd.msk.f32 $0xffff, v5, v5  }
0x18: {  	v5 =	vand.u32 $0xFFFFFFC0, v7;
	(xrf1) =	vsort.dscd.msk.f32 $0xffff, v4, v4  }
0x19: {  	v4 =	vor.u32 v0, v5  }
0x1a: {  	(xrf1) =	vsort.dscd.msk.f32 $0xffff, v4, v4;
	_ =	sdelay $0x9  }
0x1b: {  	v4, _, _ =	vpop (xrf1)  }
0x1c: {  	v4 =	vperm.xlane v4, v3;
	v5, _, _ =	vpop (xrf1)  }
0x1d: {  	v6, _, _ =	vpop (xrf1)  }
0x1e: {  	v6 =	vperm.xlane v6, v3;
	v4 =	vsel vm0, v5, v4  }
0x1f: {  	v5, _, _ =	vpop (xrf1);
	(xrf1) =	vsort.dscd.msk.f32 $0xffff, v4, v4  }
0x20: {  	v4 =	vsel vm0, v5, v6  }
0x21: {  	(xrf1) =	vsort.dscd.msk.f32 $0xffff, v4, v4;
	_ =	sdelay $0xb  }
0x22: {  	v4, _, _ =	vpop (xrf1)  }
0x23: {  	v4 =	vperm.xlane v4, v3  }
0x24: {  	v5, _, _ =	vpop (xrf1)  }
0x25: {  	v4 =	vsel vm0, v5, v4  }
0x26: {  	(xrf1) =	vsort.dscd.msk.f32 $0xffff, v4, v4;
	_ =	sdelay $0xd  }
0x27: {  	s13 =	simm.s32 $0x0;
	v5, _, _ =	vpop (xrf1)  }
0x28: {  	s12 =	simm.s32 $0x20;
	v4 =	vandn.u32 $0x3F, v5;
	[tilespmem:s13+$0x10000] =	vst.msk $0xff, v5  }
.LBB2_2:
0x29: {  	p0 =	sne.s32 s12, $0x7FE0  }
0x2a: {  	[tilespmem:s13+$0x12080] =	vst.msk $0xff, v4;
	s11 =	sadd.s32 $0x40, s11;
	s13 =	smov.u32 s12;
	s12 =	sadd.s32 $0x20, s12  }
0x2b: {  	v4 =	vld [tilespmem:s11+$0x10]  }
0x2c: {  	v5 =	vld [tilespmem:s11+$0x0]  }
0x2d: {  	v6 =	vld [tilespmem:s11+$0xFFFFFFF0];
	_ =	sdelay $0x1  }
0x2e: {  	v7 =	vld [tilespmem:s11+$0xFFFFFFE0]  }
0x2f: {  	v4 =	vand.u32 $0xFFFFFFC0, v4  }
0x30: {  	v5 =	vand.u32 $0xFFFFFFC0, v5;
	v4 =	vor.u32 v3, v4  }
0x31: {  	v6 =	vand.u32 $0xFFFFFFC0, v6;
	v5 =	vor.u32 v2, v5;
	(xrf1) =	vsort.dscd.msk.f32 $0xffff, v4, v4  }
0x32: {  	v4 =	vor.u32 v1, v6;
	(xrf1) =	vsort.dscd.msk.f32 $0xffff, v5, v5  }
0x33: {  	v5 =	vand.u32 $0xFFFFFFC0, v7;
	(xrf1) =	vsort.dscd.msk.f32 $0xffff, v4, v4  }
0x34: {  	v4 =	vor.u32 v0, v5  }
0x35: {  	(xrf1) =	vsort.dscd.msk.f32 $0xffff, v4, v4;
	_ =	sdelay $0x9  }
0x36: {  	v4, _, _ =	vpop (xrf1)  }
0x37: {  	v4 =	vperm.xlane v4, v3;
	v5, _, _ =	vpop (xrf1)  }
0x38: {  	v6, _, _ =	vpop (xrf1)  }
0x39: {  	v6 =	vperm.xlane v6, v3;
	v4 =	vsel vm0, v5, v4  }
0x3a: {  	v5, _, _ =	vpop (xrf1);
	(xrf1) =	vsort.dscd.msk.f32 $0xffff, v4, v4  }
0x3b: {  	v4 =	vsel vm0, v5, v6  }
0x3c: {  	(xrf1) =	vsort.dscd.msk.f32 $0xffff, v4, v4;
	_ =	sdelay $0xb  }
0x3d: {  	v4, _, _ =	vpop (xrf1)  }
0x3e: {  	v4 =	vperm.xlane v4, v3  }
0x3f: {  	v5, _, _ =	vpop (xrf1)  }
0x40: {  	v4 =	vsel vm0, v5, v4  }
0x41: {  	(xrf1) =	vsort.dscd.msk.f32 $0xffff, v4, v4;
	_ =	sdelay $0xa  }
.Ltmp0:
0x42: {  	(pc) =	sbr.rel @p0 .LBB2_2-.Ltmp0, $3  }
0x43: {  	_ =	sdelay $0x1  }
0x44: {  	s13 =	sshra.s32 s13, $0x2;
	v5, _, _ =	vpop (xrf1)  }
0x45: {  	v4 =	vandn.u32 $0x3F, v5;
	[tilespmem:s13+$0x10000] =	vst.msk $0xff, v5  }
0x46: {  	[tilespmem:s13+$0x12080] =	vst.msk $0xff, v4  }
0x47: {  	[hbm4b:s4+s2] =	stream.linear.scatter [tilespmem:s8], [sflag:$0x1], $0x2000, $0x38;
	[tilespmem:$0x14100] =	vst v63  }
0x48: {  	s10 =	sadd.s32 $0x1, s10;
	_ =	swait.ge [sflag:s7], $0x2000  }
0x49: {  	p0 =	sne.s32 s10, s6;
	[sflag:s7] =	ssyncset.done $0x0  }
.Ltmp1:
0x4a: {  	[sflag:s7] =	ssyncadd.s32 $0xFFFFE000;
	(pc) =	sbr.rel @p0 .LBB2_1-.Ltmp1, $4  }
0x4b: {  	[hbm4b:s5+s2] =	stream.linear.scatter [tilespmem:s9], [sflag:$0x1], $0x2000, $0x38;
	[tilespmem:$0x14100] =	vst v63  }
0x4c: {  	_ =	swait.ge [sflag:s7], $0x2000  }
0x4d: {  	[sflag:s7] =	ssyncset.done $0x0  }
0x4e: {  	[sflag:s7] =	ssyncadd.s32 $0xFFFFE000  }
0x4f: {  	_ =	sfence.sel $0x180000  }
0x50: {  	[bflag:$0x0] =	sbarrier.arrive $0xFFFF  }
0x51: {  	p0 =	sne.s32 s1, $0x0;
	_ =	strace $0x90000047  }
0x52: {  	s0 =	sadd.s32 @!p0 $0x100000, s0;
	[bflag:$0x2] =	sbarrier.arrive $0xFFFF  }
0x53: {  	[sflag:s0] =	ssyncadd.tile.s32 @!p0 $0x1;
	_ =	shalt  }
.Lfunc_end2:
_tile_overlayer_lowered:
.L_overlay_start_2:
0x54: {  	(tag) =	ssettag $0x2  }
0x55: {  	s0 =	rddreg [dreg:$0x0];
	s2 =	stileid.u32  }
0x56: {  	s1 =	rddreg [dreg:$0x1];
	p0 =	sne.s32 s2, $0x0  }
0x57: {  	s3 =	rddreg [dreg:$0x2];
	[bflag:$0x3] =	sbarrier.arrive $0xFFFF;
	s2 =	simm.s32 @!p0 $0x1C01  }
0x58: {  	[timem:s3], [sflag:s2] =	dma.local @!p0 [hbm:s0], s1  }
0x59: {  	s0 =	simm.s32 @!p0 $0x1  }
0x5a: {  	_ =	swait.ge @!p0 [sflag:s0], s1  }
0x5b: {  	s1 =	ssub.s32 @!p0 $0x0, s1;
	[sflag:s0] =	ssyncset.done @!p0 $0x0  }
0x5c: {  	[sflag:s0] =	ssyncadd.s32 @!p0 s1  }
0x5d: {  	[bflag:$0x3] =	sbarrier.arrive $0xFFFF  }
0x5e: {  	_ =	shalt  }

</sc_bundles>
